<compile_context>
chip_gen: v7x
topology: tpu7x:2x2x1
jax: 0.10.2.dev20260603
libtpu: 0.0.44.dev20260713+nightly
codegen_flags: <defaults>
</compile_context>

<pallas_src>
import jax
import jax.numpy as jnp
from jax import lax
from jax.experimental import pallas as pl
from jax.experimental.pallas import tpu as pltpu
from jax.experimental.pallas import tpu_sc as plsc

D_HALF_K = 384
H_K = 32
W_K = 32
N_K = H_K * W_K
B_K = 32


def _sc_body(row_hbm, col_hbm, hw_hbm, out_hbm, hw_v, buf_v,
             sem_hw, sem_g, sem_r, sem_c, sem_wr, sem_wc):
    wid = lax.axis_index("s") * 2 + lax.axis_index("c")
    iota = lax.iota(jnp.int32, 16)
    gr = pltpu.async_copy(row_hbm.at[pl.ds(0, B_K)], buf_v.at[pl.ds(0, B_K)],
                          sem_r)
    gc = pltpu.async_copy(col_hbm.at[pl.ds(0, B_K)], buf_v.at[pl.ds(B_K, B_K)],
                          sem_c)
    cp_hw = pltpu.async_copy(hw_hbm, hw_v, sem_hw)
    gr.wait()
    wr = pltpu.async_copy(
        buf_v.at[pl.ds(0, B_K)],
        out_hbm.at[pl.ds(0, H_K), wid, pl.ds(0, D_HALF_K)], sem_wr)
    gc.wait()
    wc = pltpu.async_copy(
        buf_v.at[pl.ds(B_K, B_K)],
        out_hbm.at[wid, pl.ds(0, W_K), pl.ds(D_HALF_K, D_HALF_K)], sem_wc)
    cp_hw.wait()
    hwv = hw_v[...]
    hm1 = hwv[0] - 1
    wm1 = hwv[1] - 1
    wr.wait()
    wc.wait()

    @pl.when(hm1 < H_K - 1)
    def _reclamp_rows():
        idx0 = jnp.minimum(iota, jnp.maximum(hm1, 0))
        idx1 = jnp.minimum(iota + 16, jnp.maximum(hm1, 0))
        pltpu.async_copy(row_hbm.at[idx0], buf_v.at[pl.ds(0, 16)], sem_g).wait()
        pltpu.async_copy(row_hbm.at[idx1], buf_v.at[pl.ds(16, 16)], sem_g).wait()
        pltpu.async_copy(
            buf_v.at[pl.ds(0, B_K)],
            out_hbm.at[pl.ds(0, H_K), wid, pl.ds(0, D_HALF_K)], sem_r).wait()

    @pl.when(wm1 < W_K - 1)
    def _reclamp_cols():
        idx0 = jnp.minimum(iota, jnp.maximum(wm1, 0))
        idx1 = jnp.minimum(iota + 16, jnp.maximum(wm1, 0))
        pltpu.async_copy(col_hbm.at[idx0], buf_v.at[pl.ds(B_K, 16)], sem_g).wait()
        pltpu.async_copy(col_hbm.at[idx1], buf_v.at[pl.ds(B_K + 16, 16)],
                         sem_g).wait()
        pltpu.async_copy(
            buf_v.at[pl.ds(B_K, B_K)],
            out_hbm.at[wid, pl.ds(0, W_K), pl.ds(D_HALF_K, D_HALF_K)],
            sem_c).wait()


def kernel(h, w, row_table, col_table):
    hw8 = jnp.zeros((16,), jnp.int32).at[0].set(h).at[1].set(w)
    k = pl.kernel(
        _sc_body,
        mesh=plsc.VectorSubcoreMesh(core_axis_name="c", subcore_axis_name="s"),
        out_type=jax.ShapeDtypeStruct((H_K, W_K, 2 * D_HALF_K), jnp.float32),
        scratch_types=[
            pltpu.VMEM((16,), jnp.int32),
            pltpu.VMEM((2 * B_K, D_HALF_K), jnp.float32),
            pltpu.SemaphoreType.DMA,
            pltpu.SemaphoreType.DMA,
            pltpu.SemaphoreType.DMA,
            pltpu.SemaphoreType.DMA,
            pltpu.SemaphoreType.DMA,
            pltpu.SemaphoreType.DMA,
        ],
    )
    return k(row_table, col_table, hw8).reshape(N_K, 2 * D_HALF_K)

# --- scband reference (transcript-rebuilt; emitter-appended) ---
"""Pipeline reference for scband-learned2-dpos-enc-64166811402566 (READ-ONLY COPY).

The authoritative reference and input builder live on the scoring server;
editing this copy changes nothing except your own understanding.
"""

import jax, jax.numpy as jnp
import numpy as np

D_MODEL = 768
MAX_H = 64
MAX_W = 64
D_ROW = D_MODEL // 2
D_COL = D_MODEL - D_MODEL // 2


def setup_inputs(seed: int = 0) -> dict:
    key = jax.random.key(seed)
    k1, k2 = jax.random.split(key)
    row_table = jax.random.normal(k1, (MAX_H, D_ROW), dtype=jnp.float32)
    col_table = jax.random.normal(k2, (MAX_W, D_COL), dtype=jnp.float32)
    return {"h": 32, "w": 32, "row_table": row_table, "col_table": col_table}


def reference(h, w, row_table, col_table):
    H, W = 32, 32
    # r = row(arange(h)).unsqueeze(1).expand(h, w, -1)
    row_idx = jnp.minimum(jnp.arange(H), h - 1)
    r = jnp.take(row_table, row_idx, axis=0)  # [h, D_ROW]
    r = jnp.broadcast_to(r[:, None, :], (H, W, r.shape[-1]))
    # c = col(arange(w)).unsqueeze(0).expand(h, w, -1)
    col_idx = jnp.minimum(jnp.arange(W), w - 1)
    c = jnp.take(col_table, col_idx, axis=0)  # [w, D_COL]
    c = jnp.broadcast_to(c[None, :, :], (H, W, c.shape[-1]))
    out = jnp.concatenate([r, c], axis=-1).reshape(H * W, -1)
    return out

if __name__ == "__main__":
    import jax
    _d = setup_inputs()
    print(jax.jit(kernel)(*tuple(_d.values())))

</pallas_src>

<mosaic_0001>
#map = affine_map<(d0, d1) -> (0, 0)>
#map1 = affine_map<(d0, d1) -> (0)>
#map2 = affine_map<(d0, d1) -> (0, 0, 0)>
module attributes {stable_mosaic.version = 14 : i64} {
  func.func @_sc_body(%arg0: i32, %arg1: i32, %arg2: memref<64x384xf32, #tpu.memory_space<hbm>>, %arg3: memref<64x384xf32, #tpu.memory_space<hbm>>, %arg4: memref<16xi32, #tpu.memory_space<hbm>>, %arg5: memref<32x32x768xf32, #tpu.memory_space<hbm>>, %arg6: memref<16xi32, #tpu.memory_space<vmem>>, %arg7: memref<64x384xf32, #tpu.memory_space<vmem>>, %arg8: memref<!tpu.dma_semaphore, #tpu.memory_space<semaphore_mem>>, %arg9: memref<!tpu.dma_semaphore, #tpu.memory_space<semaphore_mem>>, %arg10: memref<!tpu.dma_semaphore, #tpu.memory_space<semaphore_mem>>, %arg11: memref<!tpu.dma_semaphore, #tpu.memory_space<semaphore_mem>>, %arg12: memref<!tpu.dma_semaphore, #tpu.memory_space<semaphore_mem>>, %arg13: memref<!tpu.dma_semaphore, #tpu.memory_space<semaphore_mem>>) attributes {dimension_semantics = [#tpu.dimension_semantics<core_parallel>, #tpu.dimension_semantics<subcore_parallel>], iteration_bounds = array<i64: 2, 16>, scalar_prefetch = 0 : i64, scratch_operands = 8 : i64, tpu.core_type = #tpu.core_type<sc_vector_subcore>, window_params = [{transform_indices = #map}, {transform_indices = #map}, {transform_indices = #map1}, {transform_indices = #map2}]} {
    %mul3A = arith.constant 2 : i32
    %mul3A_0 = arith.muli %arg1, %mul3A : i32
    %add3A = arith.addi %mul3A_0, %arg0 : i32
    %iota3A = tpu.iota {dimensions = array<i32: 0>} : vector<16xi32>
    %dma_start3A = arith.constant 0 : i32
    %dma_start3A_1 = arith.constant 0 : i32
    %dma_start3A_2 = tpu.memref_slice %arg7[%dma_start3A, %dma_start3A_1] : memref<64x384xf32, #tpu.memory_space<vmem>> -> memref<32x384xf32, #tpu.memory_space<vmem>>
    %dma_start3A_3 = arith.constant 0 : i32
    %dma_start3A_4 = arith.constant 0 : i32
    %dma_start3A_5 = tpu.memref_slice %arg2[%dma_start3A_3, %dma_start3A_4] : memref<64x384xf32, #tpu.memory_space<hbm>> -> memref<32x384xf32, #tpu.memory_space<hbm>>
    %dma_start3A_6 = arith.constant 0 : i32
    %dma_start3A_7 = arith.constant 0 : i32
    %dma_start3A_8 = tpu.memref_slice %arg7[%dma_start3A_6, %dma_start3A_7] : memref<64x384xf32, #tpu.memory_space<vmem>> -> memref<32x384xf32, #tpu.memory_space<vmem>>
    %dma_start3A_9 = arith.constant 0 : i32
    %dma_start3A_10 = arith.constant 0 : i32
    %dma_start3A_11 = tpu.memref_slice %arg2[%dma_start3A_9, %dma_start3A_10] : memref<64x384xf32, #tpu.memory_space<hbm>> -> memref<32x384xf32, #tpu.memory_space<hbm>>
    tpu.enqueue_dma source(%dma_start3A_11 : memref<32x384xf32, #tpu.memory_space<hbm>>) target(%dma_start3A_8 : memref<32x384xf32, #tpu.memory_space<vmem>>) target_semaphore(%arg10 : memref<!tpu.dma_semaphore, #tpu.memory_space<semaphore_mem>>)
    %dma_start3A_12 = arith.constant 32 : i32
    %dma_start3A_13 = arith.constant 0 : i32
    %dma_start3A_14 = tpu.memref_slice %arg7[%dma_start3A_12, %dma_start3A_13] : memref<64x384xf32, #tpu.memory_space<vmem>> -> memref<32x384xf32, #tpu.memory_space<vmem>>
    %dma_start3A_15 = arith.constant 0 : i32
    %dma_start3A_16 = arith.constant 0 : i32
    %dma_start3A_17 = tpu.memref_slice %arg3[%dma_start3A_15, %dma_start3A_16] : memref<64x384xf32, #tpu.memory_space<hbm>> -> memref<32x384xf32, #tpu.memory_space<hbm>>
    %dma_start3A_18 = arith.constant 32 : i32
    %dma_start3A_19 = arith.constant 0 : i32
    %dma_start3A_20 = tpu.memref_slice %arg7[%dma_start3A_18, %dma_start3A_19] : memref<64x384xf32, #tpu.memory_space<vmem>> -> memref<32x384xf32, #tpu.memory_space<vmem>>
    %dma_start3A_21 = arith.constant 0 : i32
    %dma_start3A_22 = arith.constant 0 : i32
    %dma_start3A_23 = tpu.memref_slice %arg3[%dma_start3A_21, %dma_start3A_22] : memref<64x384xf32, #tpu.memory_space<hbm>> -> memref<32x384xf32, #tpu.memory_space<hbm>>
    tpu.enqueue_dma source(%dma_start3A_23 : memref<32x384xf32, #tpu.memory_space<hbm>>) target(%dma_start3A_20 : memref<32x384xf32, #tpu.memory_space<vmem>>) target_semaphore(%arg11 : memref<!tpu.dma_semaphore, #tpu.memory_space<semaphore_mem>>)
    tpu.enqueue_dma source(%arg4 : memref<16xi32, #tpu.memory_space<hbm>>) target(%arg6 : memref<16xi32, #tpu.memory_space<vmem>>) target_semaphore(%arg8 : memref<!tpu.dma_semaphore, #tpu.memory_space<semaphore_mem>>)
    %dma_wait3A = arith.constant 0 : i32
    %dma_wait3A_24 = arith.constant 0 : i32
    %dma_wait3A_25 = tpu.memref_slice %arg7[%dma_wait3A, %dma_wait3A_24] : memref<64x384xf32, #tpu.memory_space<vmem>> -> memref<32x384xf32, #tpu.memory_space<vmem>>
    %dma_wait3A_26 = arith.constant 0 : i32
    %dma_wait3A_27 = arith.constant 0 : i32
    %dma_wait3A_28 = tpu.memref_slice %arg2[%dma_wait3A_26, %dma_wait3A_27] : memref<64x384xf32, #tpu.memory_space<hbm>> -> memref<32x384xf32, #tpu.memory_space<hbm>>
    %dma_wait3A_29 = arith.constant 0 : i32
    %dma_wait3A_30 = arith.constant 0 : i32
    %dma_wait3A_31 = tpu.memref_slice %arg7[%dma_wait3A_29, %dma_wait3A_30] : memref<64x384xf32, #tpu.memory_space<vmem>> -> memref<32x384xf32, #tpu.memory_space<vmem>>
    %dma_wait3A_32 = arith.constant 0 : i32
    %dma_wait3A_33 = arith.constant 0 : i32
    %dma_wait3A_34 = tpu.memref_slice %arg2[%dma_wait3A_32, %dma_wait3A_33] : memref<64x384xf32, #tpu.memory_space<hbm>> -> memref<32x384xf32, #tpu.memory_space<hbm>>
    tpu.wait_dma2 semaphore(%arg10 : memref<!tpu.dma_semaphore, #tpu.memory_space<semaphore_mem>>) src(%dma_wait3A_34 : memref<32x384xf32, #tpu.memory_space<hbm>>) dst(%dma_wait3A_31 : memref<32x384xf32, #tpu.memory_space<vmem>>)
    %dma_start3A_35 = arith.constant 0 : i32
    %dma_start3A_36 = arith.constant 0 : i32
    %dma_start3A_37 = tpu.memref_slice %arg7[%dma_start3A_35, %dma_start3A_36] : memref<64x384xf32, #tpu.memory_space<vmem>> -> memref<32x384xf32, #tpu.memory_space<vmem>>
    %dma_start3A_38 = arith.constant 0 : i32
    %dma_start3A_39 = arith.constant 0 : i32
    %dma_start3A_40 = tpu.memref_slice %arg5[%dma_start3A_38, %add3A, %dma_start3A_39] : memref<32x32x768xf32, #tpu.memory_space<hbm>> -> memref<32x1x384xf32, #tpu.memory_space<hbm>>
    %dma_start3A_41 = tpu.memref_squeeze %dma_start3A_40 : memref<32x1x384xf32, #tpu.memory_space<hbm>> -> memref<32x384xf32, #tpu.memory_space<hbm>>
    %dma_start3A_42 = arith.constant 0 : i32
    %dma_start3A_43 = arith.constant 0 : i32
    %dma_start3A_44 = tpu.memref_slice %arg5[%dma_start3A_42, %add3A, %dma_start3A_43] : memref<32x32x768xf32, #tpu.memory_space<hbm>> -> memref<32x1x384xf32, #tpu.memory_space<hbm>>
    %dma_start3A_45 = tpu.memref_squeeze %dma_start3A_44 : memref<32x1x384xf32, #tpu.memory_space<hbm>> -> memref<32x384xf32, #tpu.memory_space<hbm>>
    %dma_start3A_46 = arith.constant 0 : i32
    %dma_start3A_47 = arith.constant 0 : i32
    %dma_start3A_48 = tpu.memref_slice %arg7[%dma_start3A_46, %dma_start3A_47] : memref<64x384xf32, #tpu.memory_space<vmem>> -> memref<32x384xf32, #tpu.memory_space<vmem>>
    tpu.enqueue_dma source(%dma_start3A_48 : memref<32x384xf32, #tpu.memory_space<vmem>>) target(%dma_start3A_45 : memref<32x384xf32, #tpu.memory_space<hbm>>) target_semaphore(%arg12 : memref<!tpu.dma_semaphore, #tpu.memory_space<semaphore_mem>>)
    %dma_wait3A_49 = arith.constant 32 : i32
    %dma_wait3A_50 = arith.constant 0 : i32
    %dma_wait3A_51 = tpu.memref_slice %arg7[%dma_wait3A_49, %dma_wait3A_50] : memref<64x384xf32, #tpu.memory_space<vmem>> -> memref<32x384xf32, #tpu.memory_space<vmem>>
    %dma_wait3A_52 = arith.constant 0 : i32
    %dma_wait3A_53 = arith.constant 0 : i32
    %dma_wait3A_54 = tpu.memref_slice %arg3[%dma_wait3A_52, %dma_wait3A_53] : memref<64x384xf32, #tpu.memory_space<hbm>> -> memref<32x384xf32, #tpu.memory_space<hbm>>
    %dma_wait3A_55 = arith.constant 32 : i32
    %dma_wait3A_56 = arith.constant 0 : i32
    %dma_wait3A_57 = tpu.memref_slice %arg7[%dma_wait3A_55, %dma_wait3A_56] : memref<64x384xf32, #tpu.memory_space<vmem>> -> memref<32x384xf32, #tpu.memory_space<vmem>>
    %dma_wait3A_58 = arith.constant 0 : i32
    %dma_wait3A_59 = arith.constant 0 : i32
    %dma_wait3A_60 = tpu.memref_slice %arg3[%dma_wait3A_58, %dma_wait3A_59] : memref<64x384xf32, #tpu.memory_space<hbm>> -> memref<32x384xf32, #tpu.memory_space<hbm>>
    tpu.wait_dma2 semaphore(%arg11 : memref<!tpu.dma_semaphore, #tpu.memory_space<semaphore_mem>>) src(%dma_wait3A_60 : memref<32x384xf32, #tpu.memory_space<hbm>>) dst(%dma_wait3A_57 : memref<32x384xf32, #tpu.memory_space<vmem>>)
    %dma_start3A_61 = arith.constant 32 : i32
    %dma_start3A_62 = arith.constant 0 : i32
    %dma_start3A_63 = tpu.memref_slice %arg7[%dma_start3A_61, %dma_start3A_62] : memref<64x384xf32, #tpu.memory_space<vmem>> -> memref<32x384xf32, #tpu.memory_space<vmem>>
    %dma_start3A_64 = arith.constant 0 : i32
    %dma_start3A_65 = arith.constant 384 : i32
    %dma_start3A_66 = tpu.memref_slice %arg5[%add3A, %dma_start3A_64, %dma_start3A_65] : memref<32x32x768xf32, #tpu.memory_space<hbm>> -> memref<1x32x384xf32, #tpu.memory_space<hbm>>
    %dma_start3A_67 = tpu.memref_squeeze %dma_start3A_66 : memref<1x32x384xf32, #tpu.memory_space<hbm>> -> memref<32x384xf32, #tpu.memory_space<hbm>>
    %dma_start3A_68 = arith.constant 0 : i32
    %dma_start3A_69 = arith.constant 384 : i32
    %dma_start3A_70 = tpu.memref_slice %arg5[%add3A, %dma_start3A_68, %dma_start3A_69] : memref<32x32x768xf32, #tpu.memory_space<hbm>> -> memref<1x32x384xf32, #tpu.memory_space<hbm>>
    %dma_start3A_71 = tpu.memref_squeeze %dma_start3A_70 : memref<1x32x384xf32, #tpu.memory_space<hbm>> -> memref<32x384xf32, #tpu.memory_space<hbm>>
    %dma_start3A_72 = arith.constant 32 : i32
    %dma_start3A_73 = arith.constant 0 : i32
    %dma_start3A_74 = tpu.memref_slice %arg7[%dma_start3A_72, %dma_start3A_73] : memref<64x384xf32, #tpu.memory_space<vmem>> -> memref<32x384xf32, #tpu.memory_space<vmem>>
    tpu.enqueue_dma source(%dma_start3A_74 : memref<32x384xf32, #tpu.memory_space<vmem>>) target(%dma_start3A_71 : memref<32x384xf32, #tpu.memory_space<hbm>>) target_semaphore(%arg13 : memref<!tpu.dma_semaphore, #tpu.memory_space<semaphore_mem>>)
    tpu.wait_dma2 semaphore(%arg8 : memref<!tpu.dma_semaphore, #tpu.memory_space<semaphore_mem>>) src(%arg4 : memref<16xi32, #tpu.memory_space<hbm>>) dst(%arg6 : memref<16xi32, #tpu.memory_space<vmem>>)
    %get3A = arith.constant 0 : index
    %get3A_75 = tpu.vector_load %arg6[%get3A] {strides = array<i32>} : memref<16xi32, #tpu.memory_space<vmem>>, vector<16xi32>,
    %get3A_76 = vector.shape_cast %get3A_75 : vector<16xi32> to vector<16xi32>
    %slice3A = vector.extract_strided_slice %get3A_76 {offsets = [0], sizes = [1], strides = [1]} : vector<16xi32> to vector<1xi32>
    %squeeze3A = vector.extract %slice3A[0] : i32 from vector<1xi32>
    %sub3A = arith.constant 1 : i32
    %sub3A_77 = arith.subi %squeeze3A, %sub3A : i32
    %slice3A_78 = vector.extract_strided_slice %get3A_76 {offsets = [1], sizes = [1], strides = [1]} : vector<16xi32> to vector<1xi32>
    %squeeze3A_79 = vector.extract %slice3A_78[0] : i32 from vector<1xi32>
    %sub3A_80 = arith.constant 1 : i32
    %sub3A_81 = arith.subi %squeeze3A_79, %sub3A_80 : i32
    %dma_wait3A_82 = arith.constant 0 : i32
    %dma_wait3A_83 = arith.constant 0 : i32
    %dma_wait3A_84 = tpu.memref_slice %arg7[%dma_wait3A_82, %dma_wait3A_83] : memref<64x384xf32, #tpu.memory_space<vmem>> -> memref<32x384xf32, #tpu.memory_space<vmem>>
    %dma_wait3A_85 = arith.constant 0 : i32
    %dma_wait3A_86 = arith.constant 0 : i32
    %dma_wait3A_87 = tpu.memref_slice %arg5[%dma_wait3A_85, %add3A, %dma_wait3A_86] : memref<32x32x768xf32, #tpu.memory_space<hbm>> -> memref<32x1x384xf32, #tpu.memory_space<hbm>>
    %dma_wait3A_88 = tpu.memref_squeeze %dma_wait3A_87 : memref<32x1x384xf32, #tpu.memory_space<hbm>> -> memref<32x384xf32, #tpu.memory_space<hbm>>
    %dma_wait3A_89 = arith.constant 0 : i32
    %dma_wait3A_90 = arith.constant 0 : i32
    %dma_wait3A_91 = tpu.memref_slice %arg5[%dma_wait3A_89, %add3A, %dma_wait3A_90] : memref<32x32x768xf32, #tpu.memory_space<hbm>> -> memref<32x1x384xf32, #tpu.memory_space<hbm>>
    %dma_wait3A_92 = tpu.memref_squeeze %dma_wait3A_91 : memref<32x1x384xf32, #tpu.memory_space<hbm>> -> memref<32x384xf32, #tpu.memory_space<hbm>>
    %dma_wait3A_93 = arith.constant 0 : i32
    %dma_wait3A_94 = arith.constant 0 : i32
    %dma_wait3A_95 = tpu.memref_slice %arg7[%dma_wait3A_93, %dma_wait3A_94] : memref<64x384xf32, #tpu.memory_space<vmem>> -> memref<32x384xf32, #tpu.memory_space<vmem>>
    tpu.wait_dma2 semaphore(%arg12 : memref<!tpu.dma_semaphore, #tpu.memory_space<semaphore_mem>>) src(%dma_wait3A_95 : memref<32x384xf32, #tpu.memory_space<vmem>>) dst(%dma_wait3A_92 : memref<32x384xf32, #tpu.memory_space<hbm>>)
    %dma_wait3A_96 = arith.constant 32 : i32
    %dma_wait3A_97 = arith.constant 0 : i32
    %dma_wait3A_98 = tpu.memref_slice %arg7[%dma_wait3A_96, %dma_wait3A_97] : memref<64x384xf32, #tpu.memory_space<vmem>> -> memref<32x384xf32, #tpu.memory_space<vmem>>
    %dma_wait3A_99 = arith.constant 0 : i32
    %dma_wait3A_100 = arith.constant 384 : i32
    %dma_wait3A_101 = tpu.memref_slice %arg5[%add3A, %dma_wait3A_99, %dma_wait3A_100] : memref<32x32x768xf32, #tpu.memory_space<hbm>> -> memref<1x32x384xf32, #tpu.memory_space<hbm>>
    %dma_wait3A_102 = tpu.memref_squeeze %dma_wait3A_101 : memref<1x32x384xf32, #tpu.memory_space<hbm>> -> memref<32x384xf32, #tpu.memory_space<hbm>>
    %dma_wait3A_103 = arith.constant 0 : i32
    %dma_wait3A_104 = arith.constant 384 : i32
    %dma_wait3A_105 = tpu.memref_slice %arg5[%add3A, %dma_wait3A_103, %dma_wait3A_104] : memref<32x32x768xf32, #tpu.memory_space<hbm>> -> memref<1x32x384xf32, #tpu.memory_space<hbm>>
    %dma_wait3A_106 = tpu.memref_squeeze %dma_wait3A_105 : memref<1x32x384xf32, #tpu.memory_space<hbm>> -> memref<32x384xf32, #tpu.memory_space<hbm>>
    %dma_wait3A_107 = arith.constant 32 : i32
    %dma_wait3A_108 = arith.constant 0 : i32
    %dma_wait3A_109 = tpu.memref_slice %arg7[%dma_wait3A_107, %dma_wait3A_108] : memref<64x384xf32, #tpu.memory_space<vmem>> -> memref<32x384xf32, #tpu.memory_space<vmem>>
    tpu.wait_dma2 semaphore(%arg13 : memref<!tpu.dma_semaphore, #tpu.memory_space<semaphore_mem>>) src(%dma_wait3A_109 : memref<32x384xf32, #tpu.memory_space<vmem>>) dst(%dma_wait3A_106 : memref<32x384xf32, #tpu.memory_space<hbm>>)
    %lt3A = arith.constant 31 : i32
    %lt3A_110 = arith.cmpi slt, %sub3A_77, %lt3A : i32
    %convert_element_type3A = arith.extui %lt3A_110 : i1 to i32
    %cond3A = arith.constant 0 : i32
    %cond3A_111 = arith.cmpi ne, %convert_element_type3A, %cond3A : i32
    scf.if %cond3A_111 {
      %max3A = arith.constant 0 : i32
      %max3A_117 = arith.maxsi %sub3A_77, %max3A : i32
      %min3A = vector.broadcast %max3A_117 : i32 to vector<16xi32>
      %min3A_118 = arith.minsi %iota3A, %min3A : vector<16xi32>
      %add3A_119 = arith.constant 16 : i32
      %add3A_120 = vector.broadcast %add3A_119 : i32 to vector<16xi32>
      %add3A_121 = arith.addi %iota3A, %add3A_120 : vector<16xi32>
      %max3A_122 = arith.constant 0 : i32
      %max3A_123 = arith.maxsi %sub3A_77, %max3A_122 : i32
      %min3A_124 = vector.broadcast %max3A_123 : i32 to vector<16xi32>
      %min3A_125 = arith.minsi %add3A_121, %min3A_124 : vector<16xi32>
      %dma_start3A_126 = arith.constant 0 : i32
      %dma_start3A_127 = arith.constant 0 : i32
      %dma_start3A_128 = tpu.memref_slice %arg7[%dma_start3A_126, %dma_start3A_127] : memref<64x384xf32, #tpu.memory_space<vmem>> -> memref<16x384xf32, #tpu.memory_space<vmem>>
      %dma_start3A_129 = arith.constant 0 : i32
      %dma_start3A_130 = arith.constant 0 : i32
      %dma_start3A_131 = tpu.memref_slice %arg2[%dma_start3A_129, %dma_start3A_130] : memref<64x384xf32, #tpu.memory_space<hbm>> -> memref<64x384xf32, #tpu.memory_space<hbm>>
      tpu.enqueue_indirect_dma source(%dma_start3A_131 : memref<64x384xf32, #tpu.memory_space<hbm>>) target(%dma_start3A_128 : memref<16x384xf32, #tpu.memory_space<vmem>>) offsets(%min3A_118 : vector<16xi32>) semaphore(%arg9 : memref<!tpu.dma_semaphore, #tpu.memory_space<semaphore_mem>>)
      %dma_wait3A_132 = arith.constant 0 : i32
      %dma_wait3A_133 = arith.constant 0 : i32
      %dma_wait3A_134 = tpu.memref_slice %arg7[%dma_wait3A_132, %dma_wait3A_133] : memref<64x384xf32, #tpu.memory_space<vmem>> -> memref<16x384xf32, #tpu.memory_space<vmem>>
      %dma_wait3A_135 = arith.constant 0 : i32
      %dma_wait3A_136 = arith.constant 0 : i32
      %dma_wait3A_137 = tpu.memref_slice %arg2[%dma_wait3A_135, %dma_wait3A_136] : memref<64x384xf32, #tpu.memory_space<hbm>> -> memref<64x384xf32, #tpu.memory_space<hbm>>
      tpu.wait_indirect_dma semaphore(%arg9 : memref<!tpu.dma_semaphore, #tpu.memory_space<semaphore_mem>>) src(%dma_wait3A_137 : memref<64x384xf32, #tpu.memory_space<hbm>>) dst(%dma_wait3A_134 : memref<16x384xf32, #tpu.memory_space<vmem>>)
      %dma_start3A_138 = arith.constant 16 : i32
      %dma_start3A_139 = arith.constant 0 : i32
      %dma_start3A_140 = tpu.memref_slice %arg7[%dma_start3A_138, %dma_start3A_139] : memref<64x384xf32, #tpu.memory_space<vmem>> -> memref<16x384xf32, #tpu.memory_space<vmem>>
      %dma_start3A_141 = arith.constant 0 : i32
      %dma_start3A_142 = arith.constant 0 : i32
      %dma_start3A_143 = tpu.memref_slice %arg2[%dma_start3A_141, %dma_start3A_142] : memref<64x384xf32, #tpu.memory_space<hbm>> -> memref<64x384xf32, #tpu.memory_space<hbm>>
      tpu.enqueue_indirect_dma source(%dma_start3A_143 : memref<64x384xf32, #tpu.memory_space<hbm>>) target(%dma_start3A_140 : memref<16x384xf32, #tpu.memory_space<vmem>>) offsets(%min3A_125 : vector<16xi32>) semaphore(%arg9 : memref<!tpu.dma_semaphore, #tpu.memory_space<semaphore_mem>>)
      %dma_wait3A_144 = arith.constant 16 : i32
      %dma_wait3A_145 = arith.constant 0 : i32
      %dma_wait3A_146 = tpu.memref_slice %arg7[%dma_wait3A_144, %dma_wait3A_145] : memref<64x384xf32, #tpu.memory_space<vmem>> -> memref<16x384xf32, #tpu.memory_space<vmem>>
      %dma_wait3A_147 = arith.constant 0 : i32
      %dma_wait3A_148 = arith.constant 0 : i32
      %dma_wait3A_149 = tpu.memref_slice %arg2[%dma_wait3A_147, %dma_wait3A_148] : memref<64x384xf32, #tpu.memory_space<hbm>> -> memref<64x384xf32, #tpu.memory_space<hbm>>
      tpu.wait_indirect_dma semaphore(%arg9 : memref<!tpu.dma_semaphore, #tpu.memory_space<semaphore_mem>>) src(%dma_wait3A_149 : memref<64x384xf32, #tpu.memory_space<hbm>>) dst(%dma_wait3A_146 : memref<16x384xf32, #tpu.memory_space<vmem>>)
      %dma_start3A_150 = arith.constant 0 : i32
      %dma_start3A_151 = arith.constant 0 : i32
      %dma_start3A_152 = tpu.memref_slice %arg7[%dma_start3A_150, %dma_start3A_151] : memref<64x384xf32, #tpu.memory_space<vmem>> -> memref<32x384xf32, #tpu.memory_space<vmem>>
      %dma_start3A_153 = arith.constant 0 : i32
      %dma_start3A_154 = arith.constant 0 : i32
      %dma_start3A_155 = tpu.memref_slice %arg5[%dma_start3A_153, %add3A, %dma_start3A_154] : memref<32x32x768xf32, #tpu.memory_space<hbm>> -> memref<32x1x384xf32, #tpu.memory_space<hbm>>
      %dma_start3A_156 = tpu.memref_squeeze %dma_start3A_155 : memref<32x1x384xf32, #tpu.memory_space<hbm>> -> memref<32x384xf32, #tpu.memory_space<hbm>>
      %dma_start3A_157 = arith.constant 0 : i32
      %dma_start3A_158 = arith.constant 0 : i32
      %dma_start3A_159 = tpu.memref_slice %arg5[%dma_start3A_157, %add3A, %dma_start3A_158] : memref<32x32x768xf32, #tpu.memory_space<hbm>> -> memref<32x1x384xf32, #tpu.memory_space<hbm>>
      %dma_start3A_160 = tpu.memref_squeeze %dma_start3A_159 : memref<32x1x384xf32, #tpu.memory_space<hbm>> -> memref<32x384xf32, #tpu.memory_space<hbm>>
      %dma_start3A_161 = arith.constant 0 : i32
      %dma_start3A_162 = arith.constant 0 : i32
      %dma_start3A_163 = tpu.memref_slice %arg7[%dma_start3A_161, %dma_start3A_162] : memref<64x384xf32, #tpu.memory_space<vmem>> -> memref<32x384xf32, #tpu.memory_space<vmem>>
      tpu.enqueue_dma source(%dma_start3A_163 : memref<32x384xf32, #tpu.memory_space<vmem>>) target(%dma_start3A_160 : memref<32x384xf32, #tpu.memory_space<hbm>>) target_semaphore(%arg10 : memref<!tpu.dma_semaphore, #tpu.memory_space<semaphore_mem>>)
      %dma_wait3A_164 = arith.constant 0 : i32
      %dma_wait3A_165 = arith.constant 0 : i32
      %dma_wait3A_166 = tpu.memref_slice %arg7[%dma_wait3A_164, %dma_wait3A_165] : memref<64x384xf32, #tpu.memory_space<vmem>> -> memref<32x384xf32, #tpu.memory_space<vmem>>
      %dma_wait3A_167 = arith.constant 0 : i32
      %dma_wait3A_168 = arith.constant 0 : i32
      %dma_wait3A_169 = tpu.memref_slice %arg5[%dma_wait3A_167, %add3A, %dma_wait3A_168] : memref<32x32x768xf32, #tpu.memory_space<hbm>> -> memref<32x1x384xf32, #tpu.memory_space<hbm>>
      %dma_wait3A_170 = tpu.memref_squeeze %dma_wait3A_169 : memref<32x1x384xf32, #tpu.memory_space<hbm>> -> memref<32x384xf32, #tpu.memory_space<hbm>>
      %dma_wait3A_171 = arith.constant 0 : i32
      %dma_wait3A_172 = arith.constant 0 : i32
      %dma_wait3A_173 = tpu.memref_slice %arg5[%dma_wait3A_171, %add3A, %dma_wait3A_172] : memref<32x32x768xf32, #tpu.memory_space<hbm>> -> memref<32x1x384xf32, #tpu.memory_space<hbm>>
      %dma_wait3A_174 = tpu.memref_squeeze %dma_wait3A_173 : memref<32x1x384xf32, #tpu.memory_space<hbm>> -> memref<32x384xf32, #tpu.memory_space<hbm>>
      %dma_wait3A_175 = arith.constant 0 : i32
      %dma_wait3A_176 = arith.constant 0 : i32
      %dma_wait3A_177 = tpu.memref_slice %arg7[%dma_wait3A_175, %dma_wait3A_176] : memref<64x384xf32, #tpu.memory_space<vmem>> -> memref<32x384xf32, #tpu.memory_space<vmem>>
      tpu.wait_dma2 semaphore(%arg10 : memref<!tpu.dma_semaphore, #tpu.memory_space<semaphore_mem>>) src(%dma_wait3A_177 : memref<32x384xf32, #tpu.memory_space<vmem>>) dst(%dma_wait3A_174 : memref<32x384xf32, #tpu.memory_space<hbm>>)
    } else {
    }
    %lt3A_112 = arith.constant 31 : i32
    %lt3A_113 = arith.cmpi slt, %sub3A_81, %lt3A_112 : i32
    %convert_element_type3A_114 = arith.extui %lt3A_113 : i1 to i32
    %cond3A_115 = arith.constant 0 : i32
    %cond3A_116 = arith.cmpi ne, %convert_element_type3A_114, %cond3A_115 : i32
    scf.if %cond3A_116 {
      %max3A = arith.constant 0 : i32
      %max3A_117 = arith.maxsi %sub3A_81, %max3A : i32
      %min3A = vector.broadcast %max3A_117 : i32 to vector<16xi32>
      %min3A_118 = arith.minsi %iota3A, %min3A : vector<16xi32>
      %add3A_119 = arith.constant 16 : i32
      %add3A_120 = vector.broadcast %add3A_119 : i32 to vector<16xi32>
      %add3A_121 = arith.addi %iota3A, %add3A_120 : vector<16xi32>
      %max3A_122 = arith.constant 0 : i32
      %max3A_123 = arith.maxsi %sub3A_81, %max3A_122 : i32
      %min3A_124 = vector.broadcast %max3A_123 : i32 to vector<16xi32>
      %min3A_125 = arith.minsi %add3A_121, %min3A_124 : vector<16xi32>
      %dma_start3A_126 = arith.constant 32 : i32
      %dma_start3A_127 = arith.constant 0 : i32
      %dma_start3A_128 = tpu.memref_slice %arg7[%dma_start3A_126, %dma_start3A_127] : memref<64x384xf32, #tpu.memory_space<vmem>> -> memref<16x384xf32, #tpu.memory_space<vmem>>
      %dma_start3A_129 = arith.constant 0 : i32
      %dma_start3A_130 = arith.constant 0 : i32
      %dma_start3A_131 = tpu.memref_slice %arg3[%dma_start3A_129, %dma_start3A_130] : memref<64x384xf32, #tpu.memory_space<hbm>> -> memref<64x384xf32, #tpu.memory_space<hbm>>
      tpu.enqueue_indirect_dma source(%dma_start3A_131 : memref<64x384xf32, #tpu.memory_space<hbm>>) target(%dma_start3A_128 : memref<16x384xf32, #tpu.memory_space<vmem>>) offsets(%min3A_118 : vector<16xi32>) semaphore(%arg9 : memref<!tpu.dma_semaphore, #tpu.memory_space<semaphore_mem>>)
      %dma_wait3A_132 = arith.constant 32 : i32
      %dma_wait3A_133 = arith.constant 0 : i32
      %dma_wait3A_134 = tpu.memref_slice %arg7[%dma_wait3A_132, %dma_wait3A_133] : memref<64x384xf32, #tpu.memory_space<vmem>> -> memref<16x384xf32, #tpu.memory_space<vmem>>
      %dma_wait3A_135 = arith.constant 0 : i32
      %dma_wait3A_136 = arith.constant 0 : i32
      %dma_wait3A_137 = tpu.memref_slice %arg3[%dma_wait3A_135, %dma_wait3A_136] : memref<64x384xf32, #tpu.memory_space<hbm>> -> memref<64x384xf32, #tpu.memory_space<hbm>>
      tpu.wait_indirect_dma semaphore(%arg9 : memref<!tpu.dma_semaphore, #tpu.memory_space<semaphore_mem>>) src(%dma_wait3A_137 : memref<64x384xf32, #tpu.memory_space<hbm>>) dst(%dma_wait3A_134 : memref<16x384xf32, #tpu.memory_space<vmem>>)
      %dma_start3A_138 = arith.constant 48 : i32
      %dma_start3A_139 = arith.constant 0 : i32
      %dma_start3A_140 = tpu.memref_slice %arg7[%dma_start3A_138, %dma_start3A_139] : memref<64x384xf32, #tpu.memory_space<vmem>> -> memref<16x384xf32, #tpu.memory_space<vmem>>
      %dma_start3A_141 = arith.constant 0 : i32
      %dma_start3A_142 = arith.constant 0 : i32
      %dma_start3A_143 = tpu.memref_slice %arg3[%dma_start3A_141, %dma_start3A_142] : memref<64x384xf32, #tpu.memory_space<hbm>> -> memref<64x384xf32, #tpu.memory_space<hbm>>
      tpu.enqueue_indirect_dma source(%dma_start3A_143 : memref<64x384xf32, #tpu.memory_space<hbm>>) target(%dma_start3A_140 : memref<16x384xf32, #tpu.memory_space<vmem>>) offsets(%min3A_125 : vector<16xi32>) semaphore(%arg9 : memref<!tpu.dma_semaphore, #tpu.memory_space<semaphore_mem>>)
      %dma_wait3A_144 = arith.constant 48 : i32
      %dma_wait3A_145 = arith.constant 0 : i32
      %dma_wait3A_146 = tpu.memref_slice %arg7[%dma_wait3A_144, %dma_wait3A_145] : memref<64x384xf32, #tpu.memory_space<vmem>> -> memref<16x384xf32, #tpu.memory_space<vmem>>
      %dma_wait3A_147 = arith.constant 0 : i32
      %dma_wait3A_148 = arith.constant 0 : i32
      %dma_wait3A_149 = tpu.memref_slice %arg3[%dma_wait3A_147, %dma_wait3A_148] : memref<64x384xf32, #tpu.memory_space<hbm>> -> memref<64x384xf32, #tpu.memory_space<hbm>>
      tpu.wait_indirect_dma semaphore(%arg9 : memref<!tpu.dma_semaphore, #tpu.memory_space<semaphore_mem>>) src(%dma_wait3A_149 : memref<64x384xf32, #tpu.memory_space<hbm>>) dst(%dma_wait3A_146 : memref<16x384xf32, #tpu.memory_space<vmem>>)
      %dma_start3A_150 = arith.constant 32 : i32
      %dma_start3A_151 = arith.constant 0 : i32
      %dma_start3A_152 = tpu.memref_slice %arg7[%dma_start3A_150, %dma_start3A_151] : memref<64x384xf32, #tpu.memory_space<vmem>> -> memref<32x384xf32, #tpu.memory_space<vmem>>
      %dma_start3A_153 = arith.constant 0 : i32
      %dma_start3A_154 = arith.constant 384 : i32
      %dma_start3A_155 = tpu.memref_slice %arg5[%add3A, %dma_start3A_153, %dma_start3A_154] : memref<32x32x768xf32, #tpu.memory_space<hbm>> -> memref<1x32x384xf32, #tpu.memory_space<hbm>>
      %dma_start3A_156 = tpu.memref_squeeze %dma_start3A_155 : memref<1x32x384xf32, #tpu.memory_space<hbm>> -> memref<32x384xf32, #tpu.memory_space<hbm>>
      %dma_start3A_157 = arith.constant 0 : i32
      %dma_start3A_158 = arith.constant 384 : i32
      %dma_start3A_159 = tpu.memref_slice %arg5[%add3A, %dma_start3A_157, %dma_start3A_158] : memref<32x32x768xf32, #tpu.memory_space<hbm>> -> memref<1x32x384xf32, #tpu.memory_space<hbm>>
      %dma_start3A_160 = tpu.memref_squeeze %dma_start3A_159 : memref<1x32x384xf32, #tpu.memory_space<hbm>> -> memref<32x384xf32, #tpu.memory_space<hbm>>
      %dma_start3A_161 = arith.constant 32 : i32
      %dma_start3A_162 = arith.constant 0 : i32
      %dma_start3A_163 = tpu.memref_slice %arg7[%dma_start3A_161, %dma_start3A_162] : memref<64x384xf32, #tpu.memory_space<vmem>> -> memref<32x384xf32, #tpu.memory_space<vmem>>
      tpu.enqueue_dma source(%dma_start3A_163 : memref<32x384xf32, #tpu.memory_space<vmem>>) target(%dma_start3A_160 : memref<32x384xf32, #tpu.memory_space<hbm>>) target_semaphore(%arg11 : memref<!tpu.dma_semaphore, #tpu.memory_space<semaphore_mem>>)
      %dma_wait3A_164 = arith.constant 32 : i32
      %dma_wait3A_165 = arith.constant 0 : i32
      %dma_wait3A_166 = tpu.memref_slice %arg7[%dma_wait3A_164, %dma_wait3A_165] : memref<64x384xf32, #tpu.memory_space<vmem>> -> memref<32x384xf32, #tpu.memory_space<vmem>>
      %dma_wait3A_167 = arith.constant 0 : i32
      %dma_wait3A_168 = arith.constant 384 : i32
      %dma_wait3A_169 = tpu.memref_slice %arg5[%add3A, %dma_wait3A_167, %dma_wait3A_168] : memref<32x32x768xf32, #tpu.memory_space<hbm>> -> memref<1x32x384xf32, #tpu.memory_space<hbm>>
      %dma_wait3A_170 = tpu.memref_squeeze %dma_wait3A_169 : memref<1x32x384xf32, #tpu.memory_space<hbm>> -> memref<32x384xf32, #tpu.memory_space<hbm>>
      %dma_wait3A_171 = arith.constant 0 : i32
      %dma_wait3A_172 = arith.constant 384 : i32
      %dma_wait3A_173 = tpu.memref_slice %arg5[%add3A, %dma_wait3A_171, %dma_wait3A_172] : memref<32x32x768xf32, #tpu.memory_space<hbm>> -> memref<1x32x384xf32, #tpu.memory_space<hbm>>
      %dma_wait3A_174 = tpu.memref_squeeze %dma_wait3A_173 : memref<1x32x384xf32, #tpu.memory_space<hbm>> -> memref<32x384xf32, #tpu.memory_space<hbm>>
      %dma_wait3A_175 = arith.constant 32 : i32
      %dma_wait3A_176 = arith.constant 0 : i32
      %dma_wait3A_177 = tpu.memref_slice %arg7[%dma_wait3A_175, %dma_wait3A_176] : memref<64x384xf32, #tpu.memory_space<vmem>> -> memref<32x384xf32, #tpu.memory_space<vmem>>
      tpu.wait_dma2 semaphore(%arg11 : memref<!tpu.dma_semaphore, #tpu.memory_space<semaphore_mem>>) src(%dma_wait3A_177 : memref<32x384xf32, #tpu.memory_space<vmem>>) dst(%dma_wait3A_174 : memref<32x384xf32, #tpu.memory_space<hbm>>)
    } else {
    }
    return
  }
}

</mosaic_0001>

<sc_bundles>
// kernel: kernel.3.cloned.1.call-start
scs
__scs_entry_jumppad:
0x0: {  	(pc) =	sbr.rel $0x88, $3  }
0x1: {  	(tag) =	ssettag $0x0;
	lr =	simm.s32 $0x1  }
0x2: {  	[smem:$0x3F9D] =	sst lr;
	_ =	strace $0xD0000000  }
0x3: {  	_ = 	snop  }
0x4: {  	_ = 	snop  }
0x5: {  	_ = 	snop  }
0x6: {  	_ = 	snop  }
0x7: {  	_ = 	snop  }
__scs_overlays_trampoline_lowered:
0x8: {  	[smem:$0x3FAC] =	sst s0  }
0x9: {  	[smem:$0x3FAD] =	sst s1  }
0xa: {  	[smem:$0x3FAE] =	sst s2  }
0xb: {  	[smem:$0x3FAF] =	sst s3  }
0xc: {  	[smem:$0x3FB0] =	sst s4  }
0xd: {  	[smem:$0x3FB1] =	sst s5  }
0xe: {  	[smem:$0x3FB2] =	sst s6  }
0xf: {  	[smem:$0x3FB3] =	sst s7  }
0x10: {  	[smem:$0x3FB4] =	sst s8  }
0x11: {  	[smem:$0x3FB5] =	sst s9;
	s0 =	simm.s32 @!p0 $0x0  }
0x12: {  	s1 =	sld [smem:$0x3F9B];
	s0 =	simm.s32 @p0 $0x1  }
0x13: {  	[smem:$0x3FB6] =	sst s0;
	s0 =	simm.s32 @!p1 $0x0  }
0x14: {  	s2 =	sld [smem:$0x3F9A];
	s0 =	simm.s32 @p1 $0x1  }
0x15: {  	[smem:$0x3FB7] =	sst s0;
	s0 =	simm.s32 @!p2 $0x0  }
0x16: {  	s3 =	sld [smem:$0x3FDB];
	s0 =	simm.s32 @p2 $0x1  }
0x17: {  	s4 =	simm.s32 $0x1BF5;
	[smem:$0x3FB9] =	sst s0  }
0x18: {  	s0 =	sld [smem:$0x3F9C];
	_ =	swait.ge [sflag:s4], $0x0  }
0x19: {  	s7 =	sld [smem:$0x3F9D]  }
0x1a: {  	s8 =	sadd.s32 $0xFFFFE003, lr  }
0x1b: {  	s9 =	sadd.s32 $0xFFFFFEF7, lr;
	s5 =	simm.s32 $0xFFFFFFFF;
	p2 =	slt.u32 s8, $0xFFFFF086  }
0x1c: {  	p1 =	slt.u32 s9, $0xF7A;
	s5 =	simm.s32 @!p2 $0x0  }
0x1d: {  	s5 =	simm.s32 @p1 $0x1;
	p0 =	seq.s32 s7, s2  }
0x1e: {  	s7 =	smul.u32 @!p0 $0xF7A, s2;
	p2 =	seq.s32 @!p0 s5, $0x0  }
0x1f: {  	s9 =	smul.u32 $0xF7A, s1;
	s8 =	simm.s32 @!p0 $0x1BF5;
	p2 =	por !p2, p0  }
0x20: {  	[sflag:s8] =	ssyncset.s32 @!p0 $0xFFFFF086;
	s6 =	sadd.s32 @!p0 s3, s7;
	s7 =	simm.s32 @!p0 $0x108  }
0x21: {  	s3 =	sadd.s32 s3, s9;
	s6 =	sadd.s32 @!p0 $0x88, s6;
	s7 =	simm.s32 @p2 $0x1082  }
0x22: {  	[simem:s7], [sflag:s8] =	dma.local @!p0 [hbm:s6], $0xF7A  }
0x23: {  	s9 =	sor.u32 $0xD0000000, s2;
	s6 =	simm.s32 $0x108;
	_ =	swait.ge @!p0 [sflag:s8], $0x0  }
0x24: {  	s3 =	sadd.s32 $0x88, s3;
	s6 =	simm.s32 @!p1 $0x1082;
	[sflag:s4] =	ssyncset.s32 $0xFFFFF086  }
0x25: {  	[simem:s6], [sflag:s4] =	dma.local [hbm:s3], $0xF7A  }
0x26: {  	[smem:$0x3F9D] =	sst s1;
	(tag) =	ssettag s2;
	_ =	strace s9  }
0x27: {  	s1 =	sld [smem:$0x3FAD]  }
0x28: {  	s2 =	sld [smem:$0x3FAE]  }
0x29: {  	s4 =	sld [smem:$0x3FB0]  }
0x2a: {  	p0 =	seq.s32 s5, $0x0;
	s5 =	sld [smem:$0x3FB1]  }
0x2b: {  	s6 =	sld [smem:$0x3FB2]  }
0x2c: {  	s7 =	sld [smem:$0x3FB3]  }
0x2d: {  	s3 =	simm.s32 $0x108;
	s8 =	sld [smem:$0x3FB4]  }
0x2e: {  	s3 =	simm.s32 @!p0 $0x1082;
	s9 =	sld [smem:$0x3FB5]  }
0x2f: {  	lr =	sadd.s32 s0, s3;
	s0 =	sld [smem:$0x3FAC]  }
0x30: {  	s3 =	sld [smem:$0x3FAF]  }
0x31: {  	[smem:$0x3FB8] =	sst s10  }
0x32: {  	s10 =	sld [smem:$0x3FB6];
	_ =	sdelay $0x3  }
0x33: {  	p0 =	seq.s32 s10, $0x1;
	s10 =	sld [smem:$0x3FB8];
	_ =	sdelay $0x3  }
0x34: {  	[smem:$0x3FB8] =	sst s10  }
0x35: {  	s10 =	sld [smem:$0x3FB7];
	_ =	sdelay $0x3  }
0x36: {  	p1 =	seq.s32 s10, $0x1;
	s10 =	sld [smem:$0x3FB8];
	_ =	sdelay $0x3  }
0x37: {  	[smem:$0x3FB8] =	sst s10  }
0x38: {  	s10 =	sld [smem:$0x3FB9]  }
0x39: {  	_ = 	snop;
	(pc) =	sbr.ind lr, $3  }
0x3a: {  	_ = 	snop  }
0x3b: {  	_ = 	snop  }
0x3c: {  	p2 =	seq.s32 s10, $0x1;
	s10 =	sld [smem:$0x3FB8]  }
0x3d: {  	_ =	shalt  }
0x3e: {  	_ =	shalt  }
0x3f: {  	_ =	shalt  }
0x40: {  	_ =	shalt  }
0x41: {  	_ =	shalt  }
0x42: {  	_ =	shalt  }
0x43: {  	_ =	shalt  }
0x44: {  	_ =	shalt  }
0x45: {  	_ =	shalt  }
0x46: {  	_ =	shalt  }
0x47: {  	_ =	shalt  }
0x48: {  	_ =	shalt  }
0x49: {  	_ =	shalt  }
0x4a: {  	_ =	shalt  }
0x4b: {  	_ =	shalt  }
0x4c: {  	_ =	shalt  }
0x4d: {  	_ =	shalt  }
0x4e: {  	_ =	shalt  }
0x4f: {  	_ =	shalt  }
0x50: {  	_ =	shalt  }
0x51: {  	_ =	shalt  }
0x52: {  	_ =	shalt  }
0x53: {  	_ =	shalt  }
0x54: {  	_ =	shalt  }
0x55: {  	_ =	shalt  }
0x56: {  	_ =	shalt  }
0x57: {  	_ =	shalt  }
0x58: {  	_ =	shalt  }
0x59: {  	_ =	shalt  }
0x5a: {  	_ =	shalt  }
0x5b: {  	_ =	shalt  }
0x5c: {  	_ =	shalt  }
0x5d: {  	_ =	shalt  }
0x5e: {  	_ =	shalt  }
0x5f: {  	_ =	shalt  }
0x60: {  	_ =	shalt  }
0x61: {  	_ =	shalt  }
0x62: {  	_ =	shalt  }
0x63: {  	_ =	shalt  }
0x64: {  	_ =	shalt  }
0x65: {  	_ =	shalt  }
0x66: {  	_ =	shalt  }
0x67: {  	_ =	shalt  }
0x68: {  	_ =	shalt  }
0x69: {  	_ =	shalt  }
0x6a: {  	_ =	shalt  }
0x6b: {  	_ =	shalt  }
0x6c: {  	_ =	shalt  }
0x6d: {  	_ =	shalt  }
0x6e: {  	_ =	shalt  }
0x6f: {  	_ =	shalt  }
0x70: {  	_ =	shalt  }
0x71: {  	_ =	shalt  }
0x72: {  	_ =	shalt  }
0x73: {  	_ =	shalt  }
0x74: {  	_ =	shalt  }
0x75: {  	_ =	shalt  }
0x76: {  	_ =	shalt  }
0x77: {  	_ =	shalt  }
0x78: {  	_ =	shalt  }
0x79: {  	_ =	shalt  }
0x7a: {  	_ =	shalt  }
0x7b: {  	_ =	shalt  }
0x7c: {  	_ =	shalt  }
0x7d: {  	_ =	shalt  }
0x7e: {  	_ =	shalt  }
0x7f: {  	_ =	shalt  }
0x80: {  	_ =	shalt  }
0x81: {  	_ =	shalt  }
0x82: {  	_ =	shalt  }
0x83: {  	_ =	shalt  }
0x84: {  	_ =	shalt  }
0x85: {  	_ =	shalt  }
0x86: {  	_ =	shalt  }
0x87: {  	_ =	shalt  }
.Lfunc_end0:
.L_simem_size_0:
called_computation_lowered:
.L_overlay_start_0:
0x88: {  	s2 =	sld [smem:$0x3FD9]  }
0x89: {  	s3 =	sld [smem:$0x3FFE];
	_ =	sdelay $0x1  }
0x8a: {  	s1 =	srdreg.scid  }
0x8b: {  	s0 =	sand.u32 $0x1, s1  }
0x8c: {  	s17 =	sshll.u32 s0, $0xA;
	s2 =	sadd.s32 s3, s2  }
0x8d: {  	s2 =	sadd.s32 s2, s17  }
0x8e: {  	[smem:$0x3FC4] =	sst s2  }
0x8f: {  	_ = 	snop  }
0x90: {  	s2 =	sld [smem:$0x3FC7]  }
0x91: {  	s18 =	sld [smem:$0x3FC6]  }
0x92: {  	s4 =	sld [smem:$0x3FD0];
	(tm) =	ssettm $0x1  }
0x93: {  	s5 =	sld [smem:$0x3FFB];
	_ =	sdelay $0x3  }
0x94: {  	_ =	strace s5  }
0x95: {  	s5 =	sld [smem:$0x3FFC];
	_ =	sdelay $0x3  }
0x96: {  	_ =	strace s5  }
0x97: {  	s5 =	sld [smem:$0x3FFD];
	_ =	sdelay $0x3  }
0x98: {  	_ =	strace s5  }
0x99: {  	_ =	strace $0x8FFFFFFF  }
0x9a: {  	s19 =	sld [smem:$0x3FDB];
	_ =	sdelay $0x1  }
0x9b: {  	s6 =	simm.s32 $_scs_section_size  }
0x9c: {  	s7 =	simm.s32 $_size__tile_overlayer_lowered;
	s8 =	simm.s32 $_tile_overlayer_lowered  }
0x9d: {  	s22 =	simm.s32 $0x1BFF;
	s21 =	sshll.u32 s8, $0x1;
	s5 =	sadd.s32 s6, s19  }
0x9e: {  	s9 =	simm.s32 $0x0;
	s20 =	sshll.u32 s7, $0x1;
	s7 =	sadd.s32 s21, s5  }
0x9f: {  	[timem:s9], [sflag:s22] =	dma.local [hbm:s7], s20  }
0xa0: {  	_ =	swait.ge [sflag:s22], s20  }
0xa1: {  	s6 =	ssub.s32 $0x0, s20;
	[sflag:s22] =	ssyncset.done $0x0  }
0xa2: {  	[sflag:s22] =	ssyncadd.s32 s6;
	_ =	sdelay $0x1  }
0xa3: {  	s23 =	simm.s32 $0x1B8B  }
0xa4: {  	_ =	swait.ge [sflag:s23], $0x1  }
0xa5: {  	[sflag:s23] =	ssyncset.done $0x0  }
0xa6: {  	s25 =	simm.s32 $0x1B8E;
	s24 =	sld [smem:$0x3FFE];
	[sflag:s23] =	ssyncadd.s32 $0xFFFFFFFF  }
0xa7: {  	s26 =	simm.s32 $execute0_lowered;
	[smem:$0x3FD2] =	sst s25  }
0xa8: {  	s7 =	sshll.u32 s26, $0x1;
	_ =	strace $0x80000046;
	[dreg:$0x1] =	wrdreg $0xFFFFFFFF  }
0xa9: {  	s28 =	simm.s32 $_size_execute0_lowered;
	s5 =	sadd.s32 s5, s7;
	[dreg:$0x0] =	wrdreg $0x0  }
0xaa: {  	s7 =	sshll.u32 s28, $0x1;
	[dreg:$0x2] =	wrdreg s5  }
0xab: {  	[dreg:$0x3] =	wrdreg s7  }
0xac: {  	[dreg:$0x4] =	wrdreg $0xC0  }
0xad: {  	_ =	task [dreg:s9], $0x5FFFF  }
0xae: {  	[dreg:$0x1] =	wrdreg $0xFFFFFFFF  }
0xaf: {  	[dreg:$0x0] =	wrdreg $0x60  }
0xb0: {  	[dreg:$0x2] =	wrdreg s2  }
0xb1: {  	[dreg:$0x3] =	wrdreg s18  }
0xb2: {  	[dreg:$0x4] =	wrdreg s24  }
0xb3: {  	[dreg:$0x5] =	wrdreg s4  }
0xb4: {  	[dreg:$0x6] =	wrdreg $0x9  }
0xb5: {  	_ =	task.clear_ibuf [dreg:s9], $0x7FFFF;
	_ =	strace $0x90000046  }
0xb6: {  	s29 =	simm.s32 $0x9;
	_ =	strace $0x80000048  }
0xb7: {  	_ =	swait.ge [sflag:s29], $0x1  }
0xb8: {  	[sflag:s29] =	ssyncadd.s32 $0xFFFFFFFF  }
0xb9: {  	_ =	strace $0x90000048  }
0xba: {  	_ =	sfence  }
0xbb: {  	s30 =	sld [smem:$0x0];
	_ =	sdelay $0x2  }
0xbc: {  	s31 =	sshll.u32 s1, $0xD;
	s1 =	sshrl.u32 s1, $0x2  }
0xbd: {  	s3 =	sand.u32 $0x4000, s31;
	s1 =	sadd.s32 s1, s30  }
0xbe: {  	s0 =	sor.u32 s3, s0;
	s1 =	sshll.u32 s1, $0x11  }
0xbf: {  	s0 =	sor.u32 s1, s0  }
0xc0: {  	s0 =	sadd.s32 $0x8F2B, s0  }
0xc1: {  	[sflag:s0] =	ssyncadd.remote.s32 $0x1  }
0xc2: {  	_ =	sfence.sel $0xFFFF  }
0xc3: {  	[dreg:$0x0] =	wrdreg $0xFFFFFFFF;
	(pc) =	sbr.abs _section_cstart, $3  }
0xc4: {  	[dreg:$0x1] =	wrdreg $0xFFFFFFFF  }
0xc5: {  	_ =	task.clear_ibuf [dreg:s9], $0x2FFFF;
	_ =	strace $0x9FFFFFFF  }
0xc6: {  	(tm) =	ssettm $0x7FFFFFFF  }
0xc7: {  	_ =	shalt  }
tec
execute0_lowered:
.L_overlay_start_1:
0x0: {  	(tag) =	ssettag $0x1  }
0x1: {  	s15 =	rddreg [dreg:$0x0]  }
0x2: {  	s3 =	rddreg [dreg:$0x1]  }
0x3: {  	s0 =	rddreg [dreg:$0x2]  }
0x4: {  	s2 =	rddreg [dreg:$0x3]  }
0x5: {  	s4 =	srdreg.scid;
	s7 =	stileid.u32;
	s11 =	simm.s32 $0x80  }
0x6: {  	s13 =	simm.s32 $0x3;
	s14 =	simm.s32 $0x6000;
	s31 =	simm.s32 $0x880  }
0x7: {  	s1 =	simm.s32 $0x1480;
	s28 =	simm.s32 $0x2C80;
	s16 =	simm.s32 $0x4  }
0x8: {  	s29 =	simm.s32 $0x5;
	s5 =	sand.u32 $0x1, s4;
	s6 =	sshll.u32 s7, $0x1  }
0x9: {  	s4 =	simm.s32 $0x0;
	s7 =	sshrl.u32 s7, $0x2;
	s6 =	sor.u32 s5, s6  }
0xa: {  	s0 =	sadd.s32 $0x600, s0;
	s7 =	smul.u32 $0x1800, s7;
	s8 =	sshll.u32 s6, $0x7  }
0xb: {  	s9 =	sadd.s32 $0x100, s3;
	[smem:$0x7FF] =	sst s4;
	s8 =	sand.u32 $0x380, s8  }
0xc: {  	s5 =	ssub.s32 $0x2, s5;
	_ =	strace $0x80000047;
	s7 =	sor.u32 s7, s8  }
0xd: {  	s18 =	smul.u32 $0xC00, s6;
	s19 =	sshrl.u32 s5, $0x1;
	s20 =	sshrl.u32 s7, $0x3  }
0xe: {  	[dreg:$0x5] =	wrdreg s0;
	s0 =	ssub.s32 s5, s19;
	s6 =	sadd.s32 s2, s20  }
0xf: {  	s19 =	simm.s32 $0x1880;
	s5 =	simm.s32 $0x2;
	s21 =	sadd.s32 $0x80, s6  }
0x10: {  	s8 =	sadd.s32 $0x100, s15;
	s22 =	sadd.s32 $0x100, s6;
	[dreg:$0x6] =	wrdreg s21  }
0x11: {  	s10 =	smax.u32 s0, $0x1;
	s23 =	sadd.s32 $0x6000, s6;
	[dreg:$0x7] =	wrdreg s22  }
0x12: {  	s0 =	simm.s32 $0x6;
	s24 =	sadd.s32 $0x6080, s6;
	[dreg:$0x8] =	wrdreg s23  }
.Ltmp0:
0x13: {  	s25 =	sadd.s32 $0x6100, s6;
	[dreg:$0x9] =	wrdreg s24;
	(pc) =	sbr.rel .LBB2_1-.Ltmp0, $4  }
0x14: {  	s2 =	sadd.s32 s18, s2;
	s26 =	sadd.s32 $0xC000, s6;
	[dreg:$0xa] =	wrdreg s25  }
0x15: {  	v0 =	vlaneseq.u32;
	vm0 =	vmmov $0xffff;
	s7 =	sadd.s32 $0x180, s2;
	s30 =	sadd.s32 $0xC080, s6;
	[dreg:$0xb] =	wrdreg s26  }
0x16: {  	vm1 =	vmmov $0xff;
	v3 =	vshrl.u32 v0, $0x3;
	v1 =	vor.u32 $0x10, v0;
	s2 =	simm.s32 $0xC80;
	[dreg:$0xc] =	wrdreg s30;
	s21 =	simm.s32 $0x1C80  }
0x17: {  	v2 =	vand.u32 $0x7, v0;
	v4 =	vor.u32 $0x8, v0;
	v3 =	vmul.u32 $0x8, v3;
	s23 =	simm.s32 $0x2080;
	s25 =	simm.s32 $0x2480;
	s22 =	simm.s32 $0x1  }
.LBB2_3:
0x18: {  	p0 =	sgt.s32 s12, $0x1E  }
0x19: {  	p1 =	sgt.s32 @!p0 s12, $0x0  }
0x1a: {  	p1 =	por !p1, p0  }
0x1b: {  	v5 =	vlaneseq.u32 @!p0;
	s12 =	simm.s32 @p1 $0x0  }
0x1c: {  	v6 =	vmin.u32 @!p0 v5, s12  }
0x1d: {  	v7 =	vshrl.u32 @!p0 v6, $0x3  }
0x1e: {  	v7 =	vmul.u32 @!p0 $0x18, v7  }
0x1f: {  	v6 =	vand.u32 @!p0 $0x7, v6  }
0x20: {  	v8 =	vshrl.u32 @!p0 v5, $0x3;
	v6 =	vor.u32 @!p0 v6, v7;
	v7 =	vand.u32 @!p0 $0x7, v5  }
0x21: {  	v8 =	vmul.u32 @!p0 $0x8, v8;
	v9 =	vperm.xlane @!p0 v6, v7;
	_ =	sdelay $0x1  }
0x22: {  	v9 =	vadd.s32 @!p0 v8, v9  }
0x23: {  	v10 =	vor.u32 @!p0 $0x8, v5  }
0x24: {  	v6 =	vperm.xlane @!p0 v6, v10  }
0x25: {  	v5 =	vor.u32 @!p0 $0x10, v5  }
0x26: {  	vm2 =	vmmov @!p0 $0xffff;
	s18 =	simm.s32 @!p0 $0x3080;
	v5 =	vmin.u32 @!p0 v5, s12;
	s12 =	simm.s32 @!p0 $0x0;
	v6 =	vadd.s32 @!p0 v8, v6  }
0x27: {  	v11 =	vshrl.u32 @!p0 v5, $0x3;
	[tilespmem:s18], [sflag:$0x2] =	stream.indirect_vreg.gather @!p0 [hbm4b:s3+s12], $0x80, v9, vm2, $0xb8;
	[tilespmem:$0x6080] =	vst v63  }
0x28: {  	vm3 =	vmmov @!p0 $0xff;
	s20 =	simm.s32 @!p0 $0x3880;
	v11 =	vmul.u32 @!p0 $0x18, v11  }
0x29: {  	v5 =	vand.u32 @!p0 $0x7, v5;
	[tilespmem:s20], [sflag:$0x2] =	stream.indirect_vreg.gather @!p0 [hbm4b:s9+s12], $0x80, v9, vm3, $0xb8;
	[tilespmem:$0x6080] =	vst v63  }
0x2a: {  	v5 =	vor.u32 @!p0 v5, v11;
	s20 =	simm.s32 @!p0 $0x3C80  }
0x2b: {  	v7 =	vperm.xlane @!p0 v5, v7;
	[tilespmem:s20], [sflag:$0x2] =	stream.indirect_vreg.gather @!p0 [hbm4b:s3+s12], $0x80, v6, vm2, $0xb8;
	[tilespmem:$0x6080] =	vst v63  }
0x2c: {  	s20 =	simm.s32 @!p0 $0x4480  }
0x2d: {  	[tilespmem:s20], [sflag:$0x2] =	stream.indirect_vreg.gather @!p0 [hbm4b:s9+s12], $0x80, v6, vm3, $0xb8;
	v6 =	vadd.s32 @!p0 v8, v7;
	[tilespmem:$0x6080] =	vst v63  }
0x2e: {  	s20 =	simm.s32 @!p0 $0x2  }
0x2f: {  	v5 =	vperm.xlane @!p0 v5, v10;
	_ =	swait.ge @!p0 [sflag:s20], $0x1800  }
0x30: {  	[sflag:s20] =	ssyncset.done @!p0 $0x0  }
0x31: {  	s24 =	simm.s32 @!p0 $0x4880;
	v5 =	vadd.s32 @!p0 v8, v5;
	[sflag:s20] =	ssyncadd.s32 @!p0 $0xFFFFE800  }
0x32: {  	[tilespmem:s24], [sflag:$0x2] =	stream.indirect_vreg.gather @!p0 [hbm4b:s3+s12], $0x80, v6, vm2, $0xb8;
	[tilespmem:$0x6080] =	vst v63  }
0x33: {  	s24 =	simm.s32 @!p0 $0x5080  }
0x34: {  	[tilespmem:s24], [sflag:$0x2] =	stream.indirect_vreg.gather @!p0 [hbm4b:s9+s12], $0x80, v6, vm3, $0xb8;
	[tilespmem:$0x6080] =	vst v63  }
0x35: {  	s24 =	simm.s32 @!p0 $0x5480  }
0x36: {  	[tilespmem:s24], [sflag:$0x2] =	stream.indirect_vreg.gather @!p0 [hbm4b:s3+s12], $0x80, v5, vm2, $0xb8;
	[tilespmem:$0x6080] =	vst v63  }
0x37: {  	s24 =	simm.s32 @!p0 $0x5C80  }
0x38: {  	[tilespmem:s24], [sflag:$0x2] =	stream.indirect_vreg.gather @!p0 [hbm4b:s9+s12], $0x80, v5, vm3, $0xb8;
	[tilespmem:$0x6080] =	vst v63  }
0x39: {  	s10 =	sadd.s32 $0xFFFFFFFF, s10;
	_ =	swait.ge @!p0 [sflag:s20], $0x1800  }
0x3a: {  	p1 =	sne.s32 s10, $0x0;
	[sflag:s20] =	ssyncset.done @!p0 $0x0  }
0x3b: {  	s12 =	simm.s32 @!p0 $0xC00;
	[sflag:s20] =	ssyncadd.s32 @!p0 $0xFFFFE800;
	s20 =	simm.s32 @!p0 $0x1800  }
0x3c: {  	[hbm4b:s7+s12] =	stream.strided.scatter @!p0 [tilespmem:s18], [sflag:$0x4], $0x3000, s20, s12, $0x38;
	[tilespmem:$0x6080] =	vst v63  }
.Ltmp1:
0x3d: {  	_ = 	snop;
	(pc) =	sbr.rel @!p1 .LBB2_4-.Ltmp1, $4  }
0x3e: {  	s12 =	simm.s32 @!p0 $0x4  }
0x3f: {  	_ =	swait.ge @!p0 [sflag:s12], $0x3000  }
0x40: {  	[sflag:s12] =	ssyncset.done @!p0 $0x0  }
0x41: {  	[sflag:s12] =	ssyncadd.s32 @!p0 $0xFFFFD000  }
.LBB2_1:
0x42: {  	[tilespmem:s11], [sflag:$0x3] =	stream.linear.gather [hbm4b:s15+s4], $0x3000, $0x38;
	[tilespmem:$0x6080] =	vst v63  }
0x43: {  	s30 =	simm.s32 $0x3080  }
0x44: {  	[tilespmem:s30], [sflag:$0x4] =	stream.linear.gather [hbm4b:s3+s4], $0x3000, $0x38;
	[tilespmem:$0x6080] =	vst v63  }
0x45: {  	s12 =	rddreg [dreg:$0x5]  }
0x46: {  	[tilespmem:s4], [sflag:$0x1] =	stream.linear.gather [hbm4b:s12+s4], $0x80, $0x38;
	[tilespmem:$0x6080] =	vst v63  }
0x47: {  	_ =	swait.ge [sflag:s13], $0x3000  }
0x48: {  	[sflag:s13] =	ssyncset.done $0x0  }
0x49: {  	[sflag:s13] =	ssyncadd.s32 $0xFFFFD000  }
0x4a: {  	[hbm4b:s6+s11] =	stream.strided.scatter [tilespmem:s11], [sflag:$0x5], $0x400, s14, s11, $0x38;
	[tilespmem:$0x6080] =	vst v63  }
0x4b: {  	s26 =	simm.s32 $0x480;
	s17 =	rddreg [dreg:$0x6]  }
0x4c: {  	[hbm4b:s17+s11] =	stream.strided.scatter [tilespmem:s26], [sflag:$0x5], $0x400, s14, s11, $0x38;
	[tilespmem:$0x6080] =	vst v63  }
0x4d: {  	s18 =	rddreg [dreg:$0x7]  }
0x4e: {  	[hbm4b:s18+s11] =	stream.strided.scatter [tilespmem:s31], [sflag:$0x5], $0x400, s14, s11, $0x38;
	[tilespmem:$0x6080] =	vst v63  }
0x4f: {  	s20 =	rddreg [dreg:$0x8]  }
0x50: {  	[hbm4b:s20+s11] =	stream.strided.scatter [tilespmem:s2], [sflag:$0x5], $0x400, s14, s11, $0x38;
	[tilespmem:$0x6080] =	vst v63  }
0x51: {  	s24 =	simm.s32 $0x1080;
	s26 =	rddreg [dreg:$0x9]  }
0x52: {  	[hbm4b:s26+s11] =	stream.strided.scatter [tilespmem:s24], [sflag:$0x5], $0x400, s14, s11, $0x38;
	[tilespmem:$0x6080] =	vst v63  }
0x53: {  	s18 =	rddreg [dreg:$0xa]  }
0x54: {  	[hbm4b:s18+s11] =	stream.strided.scatter [tilespmem:s1], [sflag:$0x5], $0x400, s14, s11, $0x38;
	[tilespmem:$0x6080] =	vst v63  }
0x55: {  	s20 =	rddreg [dreg:$0xb]  }
0x56: {  	[hbm4b:s20+s11] =	stream.strided.scatter [tilespmem:s19], [sflag:$0x5], $0x400, s14, s11, $0x38;
	[tilespmem:$0x6080] =	vst v63  }
0x57: {  	s24 =	rddreg [dreg:$0xc]  }
0x58: {  	[hbm4b:s24+s11] =	stream.strided.scatter [tilespmem:s21], [sflag:$0x5], $0x400, s14, s11, $0x38;
	[tilespmem:$0x6080] =	vst v63  }
0x59: {  	s18 =	sadd.s32 $0xC100, s6  }
0x5a: {  	[hbm4b:s18+s11] =	stream.strided.scatter [tilespmem:s23], [sflag:$0x5], $0x400, s14, s11, $0x38;
	[tilespmem:$0x6080] =	vst v63  }
0x5b: {  	s20 =	sadd.s32 $0x12000, s6  }
0x5c: {  	[hbm4b:s20+s11] =	stream.strided.scatter [tilespmem:s25], [sflag:$0x5], $0x400, s14, s11, $0x38;
	[tilespmem:$0x6080] =	vst v63  }
0x5d: {  	s26 =	simm.s32 $0x2880;
	s24 =	sadd.s32 $0x80, s20  }
0x5e: {  	[hbm4b:s24+s11] =	stream.strided.scatter [tilespmem:s26], [sflag:$0x5], $0x400, s14, s11, $0x38;
	[tilespmem:$0x6080] =	vst v63  }
0x5f: {  	s26 =	sadd.s32 $0x100, s20  }
0x60: {  	[hbm4b:s26+s11] =	stream.strided.scatter [tilespmem:s28], [sflag:$0x5], $0x400, s14, s11, $0x38;
	[tilespmem:$0x6080] =	vst v63  }
0x61: {  	_ =	swait.ge [sflag:s16], $0x3000  }
0x62: {  	[sflag:s16] =	ssyncset.done $0x0  }
0x63: {  	s12 =	simm.s32 $0xC00;
	s17 =	simm.s32 $0x1800;
	[sflag:s16] =	ssyncadd.s32 $0xFFFFD000  }
0x64: {  	[hbm4b:s7+s12] =	stream.strided.scatter [tilespmem:s30], [sflag:$0x6], $0x3000, s17, s12, $0x38;
	[tilespmem:$0x6080] =	vst v63  }
0x65: {  	_ =	swait.ge [sflag:s22], $0x80  }
0x66: {  	[sflag:s22] =	ssyncset.done $0x0  }
0x67: {  	[sflag:s22] =	ssyncadd.s32 $0xFFFFFF80  }
0x68: {  	v5 =	vld [tilespmem:$0x0];
	_ =	sdelay $0x4  }
0x69: {  	v5 =	vadd.s32 $0xFFFFFFFF, v5  }
0x6a: {  	(v2sf) =	vpush v5, $0x0  }
0x6b: {  	(v2sf) =	vpush v5, $0x1;
	_ =	sdelay $0xd  }
0x6c: {  	s30 =	spop (v2sf)  }
0x6d: {  	s12 =	spop (v2sf)  }
0x6e: {  	p0 =	sgt.s32 s30, $0x1E;
	_ =	swait.ge [sflag:s29], $0x3000  }
.Ltmp2:
0x6f: {  	[sflag:s29] =	ssyncset.done $0x0;
	(pc) =	sbr.rel @p0 .LBB2_3-.Ltmp2, $4  }
0x70: {  	[sflag:s29] =	ssyncadd.s32 $0xFFFFD000  }
0x71: {  	_ =	swait.ge [sflag:s0], $0x3000  }
0x72: {  	[sflag:s0] =	ssyncset.done $0x0  }
0x73: {  	[sflag:s0] =	ssyncadd.s32 $0xFFFFD000  }
0x74: {  	p0 =	sgt.s32 s30, $0x0  }
0x75: {  	s30 =	simm.s32 @!p0 $0x0  }
0x76: {  	v5 =	vmin.u32 v0, s30  }
0x77: {  	v6 =	vshrl.u32 v5, $0x3  }
0x78: {  	v6 =	vmul.u32 $0x18, v6  }
0x79: {  	v5 =	vand.u32 $0x7, v5  }
0x7a: {  	v5 =	vor.u32 v5, v6  }
0x7b: {  	v6 =	vperm.xlane v5, v2;
	_ =	sdelay $0x1  }
0x7c: {  	v6 =	vadd.s32 v3, v6;
	_ =	sdelay $0x1  }
0x7d: {  	v5 =	vperm.xlane v5, v4  }
0x7e: {  	v7 =	vmin.u32 v1, s30  }
0x7f: {  	v8 =	vshrl.u32 v7, $0x3;
	v5 =	vadd.s32 v3, v5  }
0x80: {  	v8 =	vmul.u32 $0x18, v8;
	[tilespmem:s11], [sflag:$0x2] =	stream.indirect_vreg.gather [hbm4b:s15+s4], $0x80, v6, vm0, $0xb8;
	[tilespmem:$0x6080] =	vst v63  }
0x81: {  	s2 =	simm.s32 $0x880;
	v7 =	vand.u32 $0x7, v7  }
0x82: {  	[tilespmem:s2], [sflag:$0x2] =	stream.indirect_vreg.gather [hbm4b:s8+s4], $0x80, v6, vm1, $0xb8;
	v6 =	vor.u32 v7, v8;
	[tilespmem:$0x6080] =	vst v63  }
0x83: {  	s25 =	simm.s32 $0xC80;
	v7 =	vperm.xlane v6, v2  }
0x84: {  	[tilespmem:s25], [sflag:$0x2] =	stream.indirect_vreg.gather [hbm4b:s15+s4], $0x80, v5, vm0, $0xb8;
	[tilespmem:$0x6080] =	vst v63  }
0x85: {  	s17 =	simm.s32 $0x1480;
	v7 =	vadd.s32 v3, v7  }
0x86: {  	[tilespmem:s17], [sflag:$0x2] =	stream.indirect_vreg.gather [hbm4b:s8+s4], $0x80, v5, vm1, $0xb8;
	[tilespmem:$0x6080] =	vst v63  }
0x87: {  	v5 =	vperm.xlane v6, v4;
	_ =	swait.ge [sflag:s5], $0x1800  }
0x88: {  	[sflag:s5] =	ssyncset.done $0x0  }
0x89: {  	s21 =	simm.s32 $0x1880;
	v5 =	vadd.s32 v3, v5;
	[sflag:s5] =	ssyncadd.s32 $0xFFFFE800  }
0x8a: {  	[tilespmem:s21], [sflag:$0x2] =	stream.indirect_vreg.gather [hbm4b:s15+s4], $0x80, v7, vm0, $0xb8;
	[tilespmem:$0x6080] =	vst v63  }
0x8b: {  	s25 =	simm.s32 $0x2080  }
0x8c: {  	[tilespmem:s25], [sflag:$0x2] =	stream.indirect_vreg.gather [hbm4b:s8+s4], $0x80, v7, vm1, $0xb8;
	[tilespmem:$0x6080] =	vst v63  }
0x8d: {  	s1 =	simm.s32 $0x2480  }
0x8e: {  	[tilespmem:s1], [sflag:$0x2] =	stream.indirect_vreg.gather [hbm4b:s15+s4], $0x80, v5, vm0, $0xb8;
	[tilespmem:$0x6080] =	vst v63  }
0x8f: {  	s16 =	simm.s32 $0x2C80  }
0x90: {  	[tilespmem:s16], [sflag:$0x2] =	stream.indirect_vreg.gather [hbm4b:s8+s4], $0x80, v5, vm1, $0xb8;
	[tilespmem:$0x6080] =	vst v63  }
0x91: {  	_ =	swait.ge [sflag:s5], $0x1800  }
0x92: {  	[sflag:s5] =	ssyncset.done $0x0  }
0x93: {  	[sflag:s5] =	ssyncadd.s32 $0xFFFFE800  }
0x94: {  	[hbm4b:s6+s11] =	stream.strided.scatter [tilespmem:s11], [sflag:$0x3], $0x400, s14, s11, $0x38;
	[tilespmem:$0x6080] =	vst v63  }
0x95: {  	s1 =	simm.s32 $0x480;
	s19 =	rddreg [dreg:$0x6]  }
0x96: {  	[hbm4b:s19+s11] =	stream.strided.scatter [tilespmem:s1], [sflag:$0x3], $0x400, s14, s11, $0x38;
	[tilespmem:$0x6080] =	vst v63  }
0x97: {  	s23 =	rddreg [dreg:$0x7]  }
0x98: {  	[hbm4b:s23+s11] =	stream.strided.scatter [tilespmem:s2], [sflag:$0x3], $0x400, s14, s11, $0x38;
	[tilespmem:$0x6080] =	vst v63  }
0x99: {  	s30 =	rddreg [dreg:$0x8];
	s2 =	simm.s32 $0xC80  }
0x9a: {  	[hbm4b:s30+s11] =	stream.strided.scatter [tilespmem:s2], [sflag:$0x3], $0x400, s14, s11, $0x38;
	[tilespmem:$0x6080] =	vst v63  }
0x9b: {  	s19 =	simm.s32 $0x1080;
	s23 =	rddreg [dreg:$0x9]  }
0x9c: {  	[hbm4b:s23+s11] =	stream.strided.scatter [tilespmem:s19], [sflag:$0x3], $0x400, s14, s11, $0x38;
	[tilespmem:$0x6080] =	vst v63  }
0x9d: {  	s19 =	rddreg [dreg:$0xa]  }
0x9e: {  	[hbm4b:s19+s11] =	stream.strided.scatter [tilespmem:s17], [sflag:$0x3], $0x400, s14, s11, $0x38;
	[tilespmem:$0x6080] =	vst v63  }
0x9f: {  	s30 =	rddreg [dreg:$0xb]  }
0xa0: {  	[hbm4b:s30+s11] =	stream.strided.scatter [tilespmem:s21], [sflag:$0x3], $0x400, s14, s11, $0x38;
	[tilespmem:$0x6080] =	vst v63  }
0xa1: {  	s23 =	rddreg [dreg:$0xc];
	s21 =	simm.s32 $0x1C80  }
0xa2: {  	[hbm4b:s23+s11] =	stream.strided.scatter [tilespmem:s21], [sflag:$0x3], $0x400, s14, s11, $0x38;
	[tilespmem:$0x6080] =	vst v63  }
0xa3: {  	_ = 	snop  }
0xa4: {  	[hbm4b:s18+s11] =	stream.strided.scatter [tilespmem:s25], [sflag:$0x3], $0x400, s14, s11, $0x38;
	[tilespmem:$0x6080] =	vst v63  }
0xa5: {  	s25 =	simm.s32 $0x2480  }
0xa6: {  	[hbm4b:s20+s11] =	stream.strided.scatter [tilespmem:s25], [sflag:$0x3], $0x400, s14, s11, $0x38;
	[tilespmem:$0x6080] =	vst v63  }
0xa7: {  	s30 =	simm.s32 $0x2880  }
0xa8: {  	[hbm4b:s24+s11] =	stream.strided.scatter [tilespmem:s30], [sflag:$0x3], $0x400, s14, s11, $0x38;
	[tilespmem:$0x6080] =	vst v63  }
.Ltmp3:
0xa9: {  	_ = 	snop;
	(pc) =	sbr.rel .LBB2_3-.Ltmp3, $4  }
0xaa: {  	[hbm4b:s26+s11] =	stream.strided.scatter [tilespmem:s16], [sflag:$0x3], $0x400, s14, s11, $0x38;
	[tilespmem:$0x6080] =	vst v63  }
0xab: {  	s31 =	simm.s32 $0x880;
	s28 =	simm.s32 $0x2C80;
	_ =	swait.ge [sflag:s13], $0x3000  }
0xac: {  	s1 =	simm.s32 $0x1480;
	s19 =	simm.s32 $0x1880;
	[sflag:s13] =	ssyncset.done $0x0  }
0xad: {  	s23 =	simm.s32 $0x2080;
	s16 =	simm.s32 $0x4;
	[sflag:s13] =	ssyncadd.s32 $0xFFFFD000  }
.LBB2_4:
0xae: {  	_ =	sfence.sel $0x180000  }
0xaf: {  	[bflag:$0x0] =	sbarrier.arrive $0xFFFF  }
0xb0: {  	_ =	strace $0x90000047  }
0xb1: {  	s0 =	stileid.u32;
	[bflag:$0x2] =	sbarrier.arrive $0xFFFF  }
0xb2: {  	p0 =	sne.s32 s0, $0x0;
	s0 =	rddreg [dreg:$0x4]  }
0xb3: {  	s0 =	sadd.s32 @!p0 $0x100000, s0  }
0xb4: {  	[sflag:s0] =	ssyncadd.tile.s32 @!p0 $0x1;
	_ =	shalt  }
.Lfunc_end2:
_tile_overlayer_lowered:
.L_overlay_start_2:
0xb5: {  	(tag) =	ssettag $0x2  }
0xb6: {  	s0 =	rddreg [dreg:$0x0];
	s2 =	stileid.u32  }
0xb7: {  	s1 =	rddreg [dreg:$0x1];
	p0 =	sne.s32 s2, $0x0  }
0xb8: {  	s3 =	rddreg [dreg:$0x2];
	[bflag:$0x3] =	sbarrier.arrive $0xFFFF;
	s2 =	simm.s32 @!p0 $0x1C07  }
0xb9: {  	[timem:s3], [sflag:s2] =	dma.local @!p0 [hbm:s0], s1  }
0xba: {  	s0 =	simm.s32 @!p0 $0x7  }
0xbb: {  	_ =	swait.ge @!p0 [sflag:s0], s1  }
0xbc: {  	s1 =	ssub.s32 @!p0 $0x0, s1;
	[sflag:s0] =	ssyncset.done @!p0 $0x0  }
0xbd: {  	[sflag:s0] =	ssyncadd.s32 @!p0 s1  }
0xbe: {  	[bflag:$0x3] =	sbarrier.arrive $0xFFFF  }
0xbf: {  	_ =	shalt  }

</sc_bundles>
